<compile_context>
chip_gen: v7x
topology: tpu7x:2x2x1
jax: 0.10.2.dev20260603
libtpu: 0.0.44.dev20260713+nightly
codegen_flags: <defaults>
</compile_context>

<pallas_src>
import functools

import jax
import jax.numpy as jnp
from jax import lax
from jax.experimental import pallas as pl
from jax.experimental.pallas import tpu as pltpu
from jax.experimental.pallas import tpu_sc as plsc

B, N, D = 64, 8192, 64
ROWS = B * N

NC, NS = 2, 16
NW = NC * NS
ROWS_PER_W = ROWS // NW
CHUNK = 1024
NCHUNK = ROWS_PER_W // CHUNK


def _z_kernel(x_ref, p_ref, z_ref):
    for i in range(4):
        z_ref[i, 0, :] = jnp.dot(x_ref[i], p_ref[...])[:, 0]


def _compute_z(x, projection):
    z3 = pl.pallas_call(
        _z_kernel,
        grid=(B // 4,),
        in_specs=[
            pl.BlockSpec((4, N, D), lambda b: (b, 0, 0)),
            pl.BlockSpec((D, 1), lambda b: (0, 0)),
        ],
        out_specs=pl.BlockSpec((4, 1, N), lambda b: (b, 0, 0)),
        out_shape=jax.ShapeDtypeStruct((B, 1, N), jnp.float32),
    )(x, projection)
    return z3[:, 0, :]


BATCHES_PER_TILE = B // NW


def _sc_sort_body(z_hbm, idx_hbm, stage_f, ku_a, id_a, ku_b, id_b, hist):
    wid = lax.axis_index("s") * NC + lax.axis_index("c")
    lane = lax.iota(jnp.int32, 16)
    ones = jnp.ones((16,), jnp.int32)
    nvec = N // 16
    blk = N // 16

    for lb in range(BATCHES_PER_TILE):
        b = wid * BATCHES_PER_TILE + lb
        pltpu.sync_copy(z_hbm.at[b], stage_f)

        def conv(i, c):
            v = stage_f[pl.ds(i * 16, 16)]
            u = lax.bitcast_convert_type(v, jnp.int32)
            m = lax.shift_right_arithmetic(u, 31) | jnp.int32(-2147483648)
            ku_a[pl.ds(i * 16, 16)] = u ^ m
            id_a[pl.ds(i * 16, 16)] = i * 16 + lane
            return c

        lax.fori_loop(0, nvec, conv, 0)

        bufs = [(ku_a, id_a), (ku_b, id_b)]
        for p in range(4):
            src_ku, src_id = bufs[p % 2]
            dst_ku, dst_id = bufs[(p + 1) % 2]
            sh = 8 * p
            last = p == 3

            def zero(i, c):
                hist[pl.ds(i * 16, 16)] = jnp.zeros((16,), jnp.int32)
                return c

            lax.fori_loop(0, 256, zero, 0)

            def histo(i, idxv):
                k = plsc.load_gather(src_ku, [idxv])
                digit = lax.shift_right_logical(k, sh) & 0xFF
                binv = digit * 16 + lane
                plsc.addupdate_scatter(hist, [binv], ones)
                return idxv + 1

            lax.fori_loop(0, blk, histo, lane * blk)

            def scan(i, carry):
                v = hist[pl.ds(i * 16, 16)]
                cum = plsc.cumsum(v)
                hist[pl.ds(i * 16, 16)] = carry + (cum - v)
                return carry + jnp.sum(v)

            lax.fori_loop(0, 256, scan, jnp.int32(0))

            def permute(i, idxv):
                k = plsc.load_gather(src_ku, [idxv])
                v = plsc.load_gather(src_id, [idxv])
                digit = lax.shift_right_logical(k, sh) & 0xFF
                binv = digit * 16 + lane
                off = plsc.load_gather(hist, [binv])
                if last:
                    plsc.store_scatter(dst_id, [off], v + b * N)
                else:
                    plsc.store_scatter(dst_ku, [off], k)
                    plsc.store_scatter(dst_id, [off], v)
                plsc.addupdate_scatter(hist, [binv], ones)
                return idxv + 1

            lax.fori_loop(0, blk, permute, lane * blk)

        pltpu.sync_copy(id_a, idx_hbm.at[b])


def _sc_argsort(z):
    mesh = plsc.VectorSubcoreMesh(
        core_axis_name="c", subcore_axis_name="s", num_cores=NC, num_subcores=NS
    )
    kern = functools.partial(
        pl.kernel,
        out_type=jax.ShapeDtypeStruct((B, N), jnp.int32),
        mesh=mesh,
        compiler_params=pltpu.CompilerParams(
            use_tc_tiling_on_sc=False, needs_layout_passes=False
        ),
        scratch_types=[
            pltpu.VMEM((N,), jnp.float32),
            pltpu.VMEM((N,), jnp.int32),
            pltpu.VMEM((N,), jnp.int32),
            pltpu.VMEM((N,), jnp.int32),
            pltpu.VMEM((N,), jnp.int32),
            pltpu.VMEM((4096,), jnp.int32),
        ],
    )(_sc_sort_body)
    return kern(z)


def _sc_gather_body(x_hbm, idx_hbm, out_hbm, idx_v, rows_v, sem):
    wid = lax.axis_index("s") * NC + lax.axis_index("c")
    row_base = wid * ROWS_PER_W

    def chunk_body(c, _):
        base = row_base + c * CHUNK
        irow = pl.multiple_of(base // 128, 8)
        pltpu.sync_copy(idx_hbm.at[pl.ds(irow, CHUNK // 128), :], idx_v)
        copies = []
        for j in range(CHUNK // 128):
            copies.append(
                pltpu.async_copy(
                    x_hbm.at[idx_v.at[j]],
                    rows_v.at[pl.ds(j * 128, 128), :],
                    sem,
                )
            )
        for cp in copies:
            cp.wait()
        pltpu.sync_copy(rows_v, out_hbm.at[pl.ds(base, CHUNK), :])
        return _

    lax.fori_loop(0, NCHUNK, chunk_body, None)


@functools.partial(jax.jit, static_argnums=())
def _sc_gather(x_flat, idx2d):
    mesh = plsc.VectorSubcoreMesh(
        core_axis_name="c", subcore_axis_name="s", num_cores=NC, num_subcores=NS
    )
    kern = functools.partial(
        pl.kernel,
        out_type=jax.ShapeDtypeStruct((ROWS, D), jnp.float32),
        mesh=mesh,
        compiler_params=pltpu.CompilerParams(use_tc_tiling_on_sc=False),
        scratch_types=[
            pltpu.VMEM((CHUNK // 128, 128), jnp.int32),
            pltpu.VMEM((CHUNK, D), jnp.float32),
            pltpu.SemaphoreType.DMA,
        ],
    )(_sc_gather_body)
    return kern(x_flat, idx2d)


def kernel(x, projection):
    z = _compute_z(x, projection)
    gidx = _sc_argsort(z)
    out_flat = _sc_gather(x.reshape(ROWS, D), gidx.reshape(ROWS // 128, 128))
    return out_flat.reshape(B, N, D)

# --- scband reference (transcript-rebuilt; emitter-appended) ---
"""Pipeline reference for scband-canonical-ordering-24842090840518 (READ-ONLY COPY).

The authoritative reference and input builder live on the scoring server;
editing this copy changes nothing except your own understanding.
"""

import jax, jax.numpy as jnp
import numpy as np


def setup_inputs(seed: int = 0) -> dict:
    key = jax.random.key(seed)
    k_x, k_p = jax.random.split(key)
    x = jax.random.normal(k_x, (64, 8192, 64), dtype=jnp.float32)
    # projection buffer initialized uniform(-1, 1), shape (embedding_dim, 1)
    projection = jax.random.uniform(k_p, (64, 1), dtype=jnp.float32, minval=-1.0, maxval=1.0)
    return {"x": x, "projection": projection}


def reference(x, projection):
    # z = x @ projection -> [B, N, 1]
    z = x @ projection
    # argsort along the points dimension
    indices = jnp.argsort(z, axis=1)  # [B, N, 1]
    # gather with broadcasting along last dim (matches torch.take_along_dim)
    ordered = jnp.take_along_axis(x, indices, axis=1)
    return ordered

if __name__ == "__main__":
    import jax
    _d = setup_inputs()
    print(jax.jit(kernel)(*tuple(_d.values())))

</pallas_src>

<mosaic_0001>
#map = affine_map<(d0, d1) -> (0, 0)>
module attributes {stable_mosaic.version = 14 : i64} {
  func.func @_sc_gather_body(%arg0: i32, %arg1: i32, %arg2: memref<524288x64xf32, #tpu.memory_space<hbm>>, %arg3: memref<4096x128xi32, #tpu.memory_space<hbm>>, %arg4: memref<524288x64xf32, #tpu.memory_space<hbm>>, %arg5: memref<8x128xi32, #tpu.memory_space<vmem>>, %arg6: memref<1024x64xf32, #tpu.memory_space<vmem>>, %arg7: memref<!tpu.dma_semaphore, #tpu.memory_space<semaphore_mem>>) attributes {dimension_semantics = [#tpu.dimension_semantics<core_parallel>, #tpu.dimension_semantics<subcore_parallel>], iteration_bounds = array<i64: 2, 16>, scalar_prefetch = 0 : i64, scratch_operands = 3 : i64, tpu.core_type = #tpu.core_type<sc_vector_subcore>, window_params = [{transform_indices = #map}, {transform_indices = #map}, {transform_indices = #map}]} {
    %mul3A = arith.constant 2 : i32
    %mul3A_0 = arith.muli %arg1, %mul3A : i32
    %add3A = arith.addi %mul3A_0, %arg0 : i32
    %mul3A_1 = arith.constant 16384 : i32
    %mul3A_2 = arith.muli %add3A, %mul3A_1 : i32
    %scan3A = arith.constant 0 : i32
    %scan3A_3 = arith.constant 16 : i32
    %scan3A_4 = arith.addi %scan3A, %scan3A_3 : i32
    %scan3A_5 = arith.constant 1 : i32
    scf.for %scan3A_7 = %scan3A to %scan3A_4 step %scan3A_5  : i32 {
      %mul3A_8 = arith.constant 1024 : i32
      %mul3A_9 = arith.muli %scan3A_7, %mul3A_8 : i32
      %add3A_10 = arith.addi %mul3A_2, %mul3A_9 : i32
      %jit3A = arith.constant 128 : i32
      %div3A = arith.divsi %add3A_10, %jit3A : i32
      %sign3A = arith.constant 0 : i32
      %sign3A_11 = arith.cmpi sgt, %add3A_10, %sign3A : i32
      %sign3A_12 = arith.extui %sign3A_11 : i1 to i32
      %sign3A_13 = arith.constant 0 : i32
      %sign3A_14 = arith.cmpi slt, %add3A_10, %sign3A_13 : i32
      %sign3A_15 = arith.extui %sign3A_14 : i1 to i32
      %sign3A_16 = arith.subi %sign3A_12, %sign3A_15 : i32
      %sign3A_17 = arith.constant 0 : i32
      %sign3A_18 = arith.cmpi sgt, %jit3A, %sign3A_17 : i32
      %sign3A_19 = arith.extui %sign3A_18 : i1 to i32
      %sign3A_20 = arith.constant 0 : i32
      %sign3A_21 = arith.cmpi slt, %jit3A, %sign3A_20 : i32
      %sign3A_22 = arith.extui %sign3A_21 : i1 to i32
      %sign3A_23 = arith.subi %sign3A_19, %sign3A_22 : i32
      %ne3A = arith.cmpi ne, %sign3A_16, %sign3A_23 : i32
      %rem3A = arith.remsi %add3A_10, %jit3A : i32
      %ne3A_24 = arith.constant 0 : i32
      %ne3A_25 = arith.cmpi ne, %rem3A, %ne3A_24 : i32
      %and3A = arith.andi %ne3A, %ne3A_25 : i1
      %sub3A = arith.constant 1 : i32
      %sub3A_26 = arith.subi %div3A, %sub3A : i32
      %select_n3A = arith.select %and3A, %sub3A_26, %div3A : i32
      %multiple_of3A = tpu.assume_multiple %select_n3A, 8 : i32
      "tpu.region"() ({
        %run_scoped3A = tpu.sem_alloc : memref<!tpu.dma_semaphore, #tpu.memory_space<semaphore_mem>>
        %dma_start3A_185 = arith.constant 0 : i32
        %dma_start3A_186 = tpu.memref_slice %arg3[%multiple_of3A, %dma_start3A_185] : memref<4096x128xi32, #tpu.memory_space<hbm>> -> memref<8x128xi32, #tpu.memory_space<hbm>>
        %dma_start3A_187 = arith.constant 0 : i32
        %dma_start3A_188 = tpu.memref_slice %arg3[%multiple_of3A, %dma_start3A_187] : memref<4096x128xi32, #tpu.memory_space<hbm>> -> memref<8x128xi32, #tpu.memory_space<hbm>>
        tpu.enqueue_dma source(%dma_start3A_188 : memref<8x128xi32, #tpu.memory_space<hbm>>) target(%arg5 : memref<8x128xi32, #tpu.memory_space<vmem>>) target_semaphore(%run_scoped3A : memref<!tpu.dma_semaphore, #tpu.memory_space<semaphore_mem>>)
        %dma_wait3A_189 = arith.constant 0 : i32
        %dma_wait3A_190 = tpu.memref_slice %arg3[%multiple_of3A, %dma_wait3A_189] : memref<4096x128xi32, #tpu.memory_space<hbm>> -> memref<8x128xi32, #tpu.memory_space<hbm>>
        %dma_wait3A_191 = arith.constant 0 : i32
        %dma_wait3A_192 = tpu.memref_slice %arg3[%multiple_of3A, %dma_wait3A_191] : memref<4096x128xi32, #tpu.memory_space<hbm>> -> memref<8x128xi32, #tpu.memory_space<hbm>>
        tpu.wait_dma2 semaphore(%run_scoped3A : memref<!tpu.dma_semaphore, #tpu.memory_space<semaphore_mem>>) src(%dma_wait3A_192 : memref<8x128xi32, #tpu.memory_space<hbm>>) dst(%arg5 : memref<8x128xi32, #tpu.memory_space<vmem>>)
        tpu.yield
      }) : () -> ()
      %dma_start3A = arith.constant 0 : i32
      %dma_start3A_27 = arith.constant 0 : i32
      %dma_start3A_28 = arith.constant 0 : i32
      %dma_start3A_29 = tpu.memref_slice %arg6[%dma_start3A_27, %dma_start3A_28] : memref<1024x64xf32, #tpu.memory_space<vmem>> -> memref<128x64xf32, #tpu.memory_space<vmem>>
      %dma_start3A_30 = arith.constant 0 : i32
      %dma_start3A_31 = tpu.memref_slice %arg5[%dma_start3A, %dma_start3A_30] : memref<8x128xi32, #tpu.memory_space<vmem>> -> memref<1x128xi32, #tpu.memory_space<vmem>>
      %dma_start3A_32 = tpu.memref_squeeze %dma_start3A_31 : memref<1x128xi32, #tpu.memory_space<vmem>> -> memref<128xi32, #tpu.memory_space<vmem>>
      %dma_start3A_33 = arith.constant 0 : i32
      %dma_start3A_34 = arith.constant 0 : i32
      %dma_start3A_35 = tpu.memref_slice %arg2[%dma_start3A_33, %dma_start3A_34] : memref<524288x64xf32, #tpu.memory_space<hbm>> -> memref<524288x64xf32, #tpu.memory_space<hbm>>
      tpu.enqueue_indirect_dma source(%dma_start3A_35 : memref<524288x64xf32, #tpu.memory_space<hbm>>) target(%dma_start3A_29 : memref<128x64xf32, #tpu.memory_space<vmem>>) offsets(%dma_start3A_32 : memref<128xi32, #tpu.memory_space<vmem>>) semaphore(%arg7 : memref<!tpu.dma_semaphore, #tpu.memory_space<semaphore_mem>>)
      %dma_start3A_36 = arith.constant 1 : i32
      %dma_start3A_37 = arith.constant 128 : i32
      %dma_start3A_38 = arith.constant 0 : i32
      %dma_start3A_39 = tpu.memref_slice %arg6[%dma_start3A_37, %dma_start3A_38] : memref<1024x64xf32, #tpu.memory_space<vmem>> -> memref<128x64xf32, #tpu.memory_space<vmem>>
      %dma_start3A_40 = arith.constant 0 : i32
      %dma_start3A_41 = tpu.memref_slice %arg5[%dma_start3A_36, %dma_start3A_40] : memref<8x128xi32, #tpu.memory_space<vmem>> -> memref<1x128xi32, #tpu.memory_space<vmem>>
      %dma_start3A_42 = tpu.memref_squeeze %dma_start3A_41 : memref<1x128xi32, #tpu.memory_space<vmem>> -> memref<128xi32, #tpu.memory_space<vmem>>
      %dma_start3A_43 = arith.constant 0 : i32
      %dma_start3A_44 = arith.constant 0 : i32
      %dma_start3A_45 = tpu.memref_slice %arg2[%dma_start3A_43, %dma_start3A_44] : memref<524288x64xf32, #tpu.memory_space<hbm>> -> memref<524288x64xf32, #tpu.memory_space<hbm>>
      tpu.enqueue_indirect_dma source(%dma_start3A_45 : memref<524288x64xf32, #tpu.memory_space<hbm>>) target(%dma_start3A_39 : memref<128x64xf32, #tpu.memory_space<vmem>>) offsets(%dma_start3A_42 : memref<128xi32, #tpu.memory_space<vmem>>) semaphore(%arg7 : memref<!tpu.dma_semaphore, #tpu.memory_space<semaphore_mem>>)
      %dma_start3A_46 = arith.constant 2 : i32
      %dma_start3A_47 = arith.constant 256 : i32
      %dma_start3A_48 = arith.constant 0 : i32
      %dma_start3A_49 = tpu.memref_slice %arg6[%dma_start3A_47, %dma_start3A_48] : memref<1024x64xf32, #tpu.memory_space<vmem>> -> memref<128x64xf32, #tpu.memory_space<vmem>>
      %dma_start3A_50 = arith.constant 0 : i32
      %dma_start3A_51 = tpu.memref_slice %arg5[%dma_start3A_46, %dma_start3A_50] : memref<8x128xi32, #tpu.memory_space<vmem>> -> memref<1x128xi32, #tpu.memory_space<vmem>>
      %dma_start3A_52 = tpu.memref_squeeze %dma_start3A_51 : memref<1x128xi32, #tpu.memory_space<vmem>> -> memref<128xi32, #tpu.memory_space<vmem>>
      %dma_start3A_53 = arith.constant 0 : i32
      %dma_start3A_54 = arith.constant 0 : i32
      %dma_start3A_55 = tpu.memref_slice %arg2[%dma_start3A_53, %dma_start3A_54] : memref<524288x64xf32, #tpu.memory_space<hbm>> -> memref<524288x64xf32, #tpu.memory_space<hbm>>
      tpu.enqueue_indirect_dma source(%dma_start3A_55 : memref<524288x64xf32, #tpu.memory_space<hbm>>) target(%dma_start3A_49 : memref<128x64xf32, #tpu.memory_space<vmem>>) offsets(%dma_start3A_52 : memref<128xi32, #tpu.memory_space<vmem>>) semaphore(%arg7 : memref<!tpu.dma_semaphore, #tpu.memory_space<semaphore_mem>>)
      %dma_start3A_56 = arith.constant 3 : i32
      %dma_start3A_57 = arith.constant 384 : i32
      %dma_start3A_58 = arith.constant 0 : i32
      %dma_start3A_59 = tpu.memref_slice %arg6[%dma_start3A_57, %dma_start3A_58] : memref<1024x64xf32, #tpu.memory_space<vmem>> -> memref<128x64xf32, #tpu.memory_space<vmem>>
      %dma_start3A_60 = arith.constant 0 : i32
      %dma_start3A_61 = tpu.memref_slice %arg5[%dma_start3A_56, %dma_start3A_60] : memref<8x128xi32, #tpu.memory_space<vmem>> -> memref<1x128xi32, #tpu.memory_space<vmem>>
      %dma_start3A_62 = tpu.memref_squeeze %dma_start3A_61 : memref<1x128xi32, #tpu.memory_space<vmem>> -> memref<128xi32, #tpu.memory_space<vmem>>
      %dma_start3A_63 = arith.constant 0 : i32
      %dma_start3A_64 = arith.constant 0 : i32
      %dma_start3A_65 = tpu.memref_slice %arg2[%dma_start3A_63, %dma_start3A_64] : memref<524288x64xf32, #tpu.memory_space<hbm>> -> memref<524288x64xf32, #tpu.memory_space<hbm>>
      tpu.enqueue_indirect_dma source(%dma_start3A_65 : memref<524288x64xf32, #tpu.memory_space<hbm>>) target(%dma_start3A_59 : memref<128x64xf32, #tpu.memory_space<vmem>>) offsets(%dma_start3A_62 : memref<128xi32, #tpu.memory_space<vmem>>) semaphore(%arg7 : memref<!tpu.dma_semaphore, #tpu.memory_space<semaphore_mem>>)
      %dma_start3A_66 = arith.constant 4 : i32
      %dma_start3A_67 = arith.constant 512 : i32
      %dma_start3A_68 = arith.constant 0 : i32
      %dma_start3A_69 = tpu.memref_slice %arg6[%dma_start3A_67, %dma_start3A_68] : memref<1024x64xf32, #tpu.memory_space<vmem>> -> memref<128x64xf32, #tpu.memory_space<vmem>>
      %dma_start3A_70 = arith.constant 0 : i32
      %dma_start3A_71 = tpu.memref_slice %arg5[%dma_start3A_66, %dma_start3A_70] : memref<8x128xi32, #tpu.memory_space<vmem>> -> memref<1x128xi32, #tpu.memory_space<vmem>>
      %dma_start3A_72 = tpu.memref_squeeze %dma_start3A_71 : memref<1x128xi32, #tpu.memory_space<vmem>> -> memref<128xi32, #tpu.memory_space<vmem>>
      %dma_start3A_73 = arith.constant 0 : i32
      %dma_start3A_74 = arith.constant 0 : i32
      %dma_start3A_75 = tpu.memref_slice %arg2[%dma_start3A_73, %dma_start3A_74] : memref<524288x64xf32, #tpu.memory_space<hbm>> -> memref<524288x64xf32, #tpu.memory_space<hbm>>
      tpu.enqueue_indirect_dma source(%dma_start3A_75 : memref<524288x64xf32, #tpu.memory_space<hbm>>) target(%dma_start3A_69 : memref<128x64xf32, #tpu.memory_space<vmem>>) offsets(%dma_start3A_72 : memref<128xi32, #tpu.memory_space<vmem>>) semaphore(%arg7 : memref<!tpu.dma_semaphore, #tpu.memory_space<semaphore_mem>>)
      %dma_start3A_76 = arith.constant 5 : i32
      %dma_start3A_77 = arith.constant 640 : i32
      %dma_start3A_78 = arith.constant 0 : i32
      %dma_start3A_79 = tpu.memref_slice %arg6[%dma_start3A_77, %dma_start3A_78] : memref<1024x64xf32, #tpu.memory_space<vmem>> -> memref<128x64xf32, #tpu.memory_space<vmem>>
      %dma_start3A_80 = arith.constant 0 : i32
      %dma_start3A_81 = tpu.memref_slice %arg5[%dma_start3A_76, %dma_start3A_80] : memref<8x128xi32, #tpu.memory_space<vmem>> -> memref<1x128xi32, #tpu.memory_space<vmem>>
      %dma_start3A_82 = tpu.memref_squeeze %dma_start3A_81 : memref<1x128xi32, #tpu.memory_space<vmem>> -> memref<128xi32, #tpu.memory_space<vmem>>
      %dma_start3A_83 = arith.constant 0 : i32
      %dma_start3A_84 = arith.constant 0 : i32
      %dma_start3A_85 = tpu.memref_slice %arg2[%dma_start3A_83, %dma_start3A_84] : memref<524288x64xf32, #tpu.memory_space<hbm>> -> memref<524288x64xf32, #tpu.memory_space<hbm>>
      tpu.enqueue_indirect_dma source(%dma_start3A_85 : memref<524288x64xf32, #tpu.memory_space<hbm>>) target(%dma_start3A_79 : memref<128x64xf32, #tpu.memory_space<vmem>>) offsets(%dma_start3A_82 : memref<128xi32, #tpu.memory_space<vmem>>) semaphore(%arg7 : memref<!tpu.dma_semaphore, #tpu.memory_space<semaphore_mem>>)
      %dma_start3A_86 = arith.constant 6 : i32
      %dma_start3A_87 = arith.constant 768 : i32
      %dma_start3A_88 = arith.constant 0 : i32
      %dma_start3A_89 = tpu.memref_slice %arg6[%dma_start3A_87, %dma_start3A_88] : memref<1024x64xf32, #tpu.memory_space<vmem>> -> memref<128x64xf32, #tpu.memory_space<vmem>>
      %dma_start3A_90 = arith.constant 0 : i32
      %dma_start3A_91 = tpu.memref_slice %arg5[%dma_start3A_86, %dma_start3A_90] : memref<8x128xi32, #tpu.memory_space<vmem>> -> memref<1x128xi32, #tpu.memory_space<vmem>>
      %dma_start3A_92 = tpu.memref_squeeze %dma_start3A_91 : memref<1x128xi32, #tpu.memory_space<vmem>> -> memref<128xi32, #tpu.memory_space<vmem>>
      %dma_start3A_93 = arith.constant 0 : i32
      %dma_start3A_94 = arith.constant 0 : i32
      %dma_start3A_95 = tpu.memref_slice %arg2[%dma_start3A_93, %dma_start3A_94] : memref<524288x64xf32, #tpu.memory_space<hbm>> -> memref<524288x64xf32, #tpu.memory_space<hbm>>
      tpu.enqueue_indirect_dma source(%dma_start3A_95 : memref<524288x64xf32, #tpu.memory_space<hbm>>) target(%dma_start3A_89 : memref<128x64xf32, #tpu.memory_space<vmem>>) offsets(%dma_start3A_92 : memref<128xi32, #tpu.memory_space<vmem>>) semaphore(%arg7 : memref<!tpu.dma_semaphore, #tpu.memory_space<semaphore_mem>>)
      %dma_start3A_96 = arith.constant 7 : i32
      %dma_start3A_97 = arith.constant 896 : i32
      %dma_start3A_98 = arith.constant 0 : i32
      %dma_start3A_99 = tpu.memref_slice %arg6[%dma_start3A_97, %dma_start3A_98] : memref<1024x64xf32, #tpu.memory_space<vmem>> -> memref<128x64xf32, #tpu.memory_space<vmem>>
      %dma_start3A_100 = arith.constant 0 : i32
      %dma_start3A_101 = tpu.memref_slice %arg5[%dma_start3A_96, %dma_start3A_100] : memref<8x128xi32, #tpu.memory_space<vmem>> -> memref<1x128xi32, #tpu.memory_space<vmem>>
      %dma_start3A_102 = tpu.memref_squeeze %dma_start3A_101 : memref<1x128xi32, #tpu.memory_space<vmem>> -> memref<128xi32, #tpu.memory_space<vmem>>
      %dma_start3A_103 = arith.constant 0 : i32
      %dma_start3A_104 = arith.constant 0 : i32
      %dma_start3A_105 = tpu.memref_slice %arg2[%dma_start3A_103, %dma_start3A_104] : memref<524288x64xf32, #tpu.memory_space<hbm>> -> memref<524288x64xf32, #tpu.memory_space<hbm>>
      tpu.enqueue_indirect_dma source(%dma_start3A_105 : memref<524288x64xf32, #tpu.memory_space<hbm>>) target(%dma_start3A_99 : memref<128x64xf32, #tpu.memory_space<vmem>>) offsets(%dma_start3A_102 : memref<128xi32, #tpu.memory_space<vmem>>) semaphore(%arg7 : memref<!tpu.dma_semaphore, #tpu.memory_space<semaphore_mem>>)
      %dma_wait3A = arith.constant 0 : i32
      %dma_wait3A_106 = arith.constant 0 : i32
      %dma_wait3A_107 = arith.constant 0 : i32
      %dma_wait3A_108 = tpu.memref_slice %arg6[%dma_wait3A_106, %dma_wait3A_107] : memref<1024x64xf32, #tpu.memory_space<vmem>> -> memref<128x64xf32, #tpu.memory_space<vmem>>
      %dma_wait3A_109 = arith.constant 0 : i32
      %dma_wait3A_110 = tpu.memref_slice %arg5[%dma_wait3A, %dma_wait3A_109] : memref<8x128xi32, #tpu.memory_space<vmem>> -> memref<1x128xi32, #tpu.memory_space<vmem>>
      %dma_wait3A_111 = tpu.memref_squeeze %dma_wait3A_110 : memref<1x128xi32, #tpu.memory_space<vmem>> -> memref<128xi32, #tpu.memory_space<vmem>>
      %dma_wait3A_112 = arith.constant 0 : i32
      %dma_wait3A_113 = arith.constant 0 : i32
      %dma_wait3A_114 = tpu.memref_slice %arg2[%dma_wait3A_112, %dma_wait3A_113] : memref<524288x64xf32, #tpu.memory_space<hbm>> -> memref<524288x64xf32, #tpu.memory_space<hbm>>
      tpu.wait_indirect_dma semaphore(%arg7 : memref<!tpu.dma_semaphore, #tpu.memory_space<semaphore_mem>>) src(%dma_wait3A_114 : memref<524288x64xf32, #tpu.memory_space<hbm>>) dst(%dma_wait3A_108 : memref<128x64xf32, #tpu.memory_space<vmem>>)
      %dma_wait3A_115 = arith.constant 1 : i32
      %dma_wait3A_116 = arith.constant 128 : i32
      %dma_wait3A_117 = arith.constant 0 : i32
      %dma_wait3A_118 = tpu.memref_slice %arg6[%dma_wait3A_116, %dma_wait3A_117] : memref<1024x64xf32, #tpu.memory_space<vmem>> -> memref<128x64xf32, #tpu.memory_space<vmem>>
      %dma_wait3A_119 = arith.constant 0 : i32
      %dma_wait3A_120 = tpu.memref_slice %arg5[%dma_wait3A_115, %dma_wait3A_119] : memref<8x128xi32, #tpu.memory_space<vmem>> -> memref<1x128xi32, #tpu.memory_space<vmem>>
      %dma_wait3A_121 = tpu.memref_squeeze %dma_wait3A_120 : memref<1x128xi32, #tpu.memory_space<vmem>> -> memref<128xi32, #tpu.memory_space<vmem>>
      %dma_wait3A_122 = arith.constant 0 : i32
      %dma_wait3A_123 = arith.constant 0 : i32
      %dma_wait3A_124 = tpu.memref_slice %arg2[%dma_wait3A_122, %dma_wait3A_123] : memref<524288x64xf32, #tpu.memory_space<hbm>> -> memref<524288x64xf32, #tpu.memory_space<hbm>>
      tpu.wait_indirect_dma semaphore(%arg7 : memref<!tpu.dma_semaphore, #tpu.memory_space<semaphore_mem>>) src(%dma_wait3A_124 : memref<524288x64xf32, #tpu.memory_space<hbm>>) dst(%dma_wait3A_118 : memref<128x64xf32, #tpu.memory_space<vmem>>)
      %dma_wait3A_125 = arith.constant 2 : i32
      %dma_wait3A_126 = arith.constant 256 : i32
      %dma_wait3A_127 = arith.constant 0 : i32
      %dma_wait3A_128 = tpu.memref_slice %arg6[%dma_wait3A_126, %dma_wait3A_127] : memref<1024x64xf32, #tpu.memory_space<vmem>> -> memref<128x64xf32, #tpu.memory_space<vmem>>
      %dma_wait3A_129 = arith.constant 0 : i32
      %dma_wait3A_130 = tpu.memref_slice %arg5[%dma_wait3A_125, %dma_wait3A_129] : memref<8x128xi32, #tpu.memory_space<vmem>> -> memref<1x128xi32, #tpu.memory_space<vmem>>
      %dma_wait3A_131 = tpu.memref_squeeze %dma_wait3A_130 : memref<1x128xi32, #tpu.memory_space<vmem>> -> memref<128xi32, #tpu.memory_space<vmem>>
      %dma_wait3A_132 = arith.constant 0 : i32
      %dma_wait3A_133 = arith.constant 0 : i32
      %dma_wait3A_134 = tpu.memref_slice %arg2[%dma_wait3A_132, %dma_wait3A_133] : memref<524288x64xf32, #tpu.memory_space<hbm>> -> memref<524288x64xf32, #tpu.memory_space<hbm>>
      tpu.wait_indirect_dma semaphore(%arg7 : memref<!tpu.dma_semaphore, #tpu.memory_space<semaphore_mem>>) src(%dma_wait3A_134 : memref<524288x64xf32, #tpu.memory_space<hbm>>) dst(%dma_wait3A_128 : memref<128x64xf32, #tpu.memory_space<vmem>>)
      %dma_wait3A_135 = arith.constant 3 : i32
      %dma_wait3A_136 = arith.constant 384 : i32
      %dma_wait3A_137 = arith.constant 0 : i32
      %dma_wait3A_138 = tpu.memref_slice %arg6[%dma_wait3A_136, %dma_wait3A_137] : memref<1024x64xf32, #tpu.memory_space<vmem>> -> memref<128x64xf32, #tpu.memory_space<vmem>>
      %dma_wait3A_139 = arith.constant 0 : i32
      %dma_wait3A_140 = tpu.memref_slice %arg5[%dma_wait3A_135, %dma_wait3A_139] : memref<8x128xi32, #tpu.memory_space<vmem>> -> memref<1x128xi32, #tpu.memory_space<vmem>>
      %dma_wait3A_141 = tpu.memref_squeeze %dma_wait3A_140 : memref<1x128xi32, #tpu.memory_space<vmem>> -> memref<128xi32, #tpu.memory_space<vmem>>
      %dma_wait3A_142 = arith.constant 0 : i32
      %dma_wait3A_143 = arith.constant 0 : i32
      %dma_wait3A_144 = tpu.memref_slice %arg2[%dma_wait3A_142, %dma_wait3A_143] : memref<524288x64xf32, #tpu.memory_space<hbm>> -> memref<524288x64xf32, #tpu.memory_space<hbm>>
      tpu.wait_indirect_dma semaphore(%arg7 : memref<!tpu.dma_semaphore, #tpu.memory_space<semaphore_mem>>) src(%dma_wait3A_144 : memref<524288x64xf32, #tpu.memory_space<hbm>>) dst(%dma_wait3A_138 : memref<128x64xf32, #tpu.memory_space<vmem>>)
      %dma_wait3A_145 = arith.constant 4 : i32
      %dma_wait3A_146 = arith.constant 512 : i32
      %dma_wait3A_147 = arith.constant 0 : i32
      %dma_wait3A_148 = tpu.memref_slice %arg6[%dma_wait3A_146, %dma_wait3A_147] : memref<1024x64xf32, #tpu.memory_space<vmem>> -> memref<128x64xf32, #tpu.memory_space<vmem>>
      %dma_wait3A_149 = arith.constant 0 : i32
      %dma_wait3A_150 = tpu.memref_slice %arg5[%dma_wait3A_145, %dma_wait3A_149] : memref<8x128xi32, #tpu.memory_space<vmem>> -> memref<1x128xi32, #tpu.memory_space<vmem>>
      %dma_wait3A_151 = tpu.memref_squeeze %dma_wait3A_150 : memref<1x128xi32, #tpu.memory_space<vmem>> -> memref<128xi32, #tpu.memory_space<vmem>>
      %dma_wait3A_152 = arith.constant 0 : i32
      %dma_wait3A_153 = arith.constant 0 : i32
      %dma_wait3A_154 = tpu.memref_slice %arg2[%dma_wait3A_152, %dma_wait3A_153] : memref<524288x64xf32, #tpu.memory_space<hbm>> -> memref<524288x64xf32, #tpu.memory_space<hbm>>
      tpu.wait_indirect_dma semaphore(%arg7 : memref<!tpu.dma_semaphore, #tpu.memory_space<semaphore_mem>>) src(%dma_wait3A_154 : memref<524288x64xf32, #tpu.memory_space<hbm>>) dst(%dma_wait3A_148 : memref<128x64xf32, #tpu.memory_space<vmem>>)
      %dma_wait3A_155 = arith.constant 5 : i32
      %dma_wait3A_156 = arith.constant 640 : i32
      %dma_wait3A_157 = arith.constant 0 : i32
      %dma_wait3A_158 = tpu.memref_slice %arg6[%dma_wait3A_156, %dma_wait3A_157] : memref<1024x64xf32, #tpu.memory_space<vmem>> -> memref<128x64xf32, #tpu.memory_space<vmem>>
      %dma_wait3A_159 = arith.constant 0 : i32
      %dma_wait3A_160 = tpu.memref_slice %arg5[%dma_wait3A_155, %dma_wait3A_159] : memref<8x128xi32, #tpu.memory_space<vmem>> -> memref<1x128xi32, #tpu.memory_space<vmem>>
      %dma_wait3A_161 = tpu.memref_squeeze %dma_wait3A_160 : memref<1x128xi32, #tpu.memory_space<vmem>> -> memref<128xi32, #tpu.memory_space<vmem>>
      %dma_wait3A_162 = arith.constant 0 : i32
      %dma_wait3A_163 = arith.constant 0 : i32
      %dma_wait3A_164 = tpu.memref_slice %arg2[%dma_wait3A_162, %dma_wait3A_163] : memref<524288x64xf32, #tpu.memory_space<hbm>> -> memref<524288x64xf32, #tpu.memory_space<hbm>>
      tpu.wait_indirect_dma semaphore(%arg7 : memref<!tpu.dma_semaphore, #tpu.memory_space<semaphore_mem>>) src(%dma_wait3A_164 : memref<524288x64xf32, #tpu.memory_space<hbm>>) dst(%dma_wait3A_158 : memref<128x64xf32, #tpu.memory_space<vmem>>)
      %dma_wait3A_165 = arith.constant 6 : i32
      %dma_wait3A_166 = arith.constant 768 : i32
      %dma_wait3A_167 = arith.constant 0 : i32
      %dma_wait3A_168 = tpu.memref_slice %arg6[%dma_wait3A_166, %dma_wait3A_167] : memref<1024x64xf32, #tpu.memory_space<vmem>> -> memref<128x64xf32, #tpu.memory_space<vmem>>
      %dma_wait3A_169 = arith.constant 0 : i32
      %dma_wait3A_170 = tpu.memref_slice %arg5[%dma_wait3A_165, %dma_wait3A_169] : memref<8x128xi32, #tpu.memory_space<vmem>> -> memref<1x128xi32, #tpu.memory_space<vmem>>
      %dma_wait3A_171 = tpu.memref_squeeze %dma_wait3A_170 : memref<1x128xi32, #tpu.memory_space<vmem>> -> memref<128xi32, #tpu.memory_space<vmem>>
      %dma_wait3A_172 = arith.constant 0 : i32
      %dma_wait3A_173 = arith.constant 0 : i32
      %dma_wait3A_174 = tpu.memref_slice %arg2[%dma_wait3A_172, %dma_wait3A_173] : memref<524288x64xf32, #tpu.memory_space<hbm>> -> memref<524288x64xf32, #tpu.memory_space<hbm>>
      tpu.wait_indirect_dma semaphore(%arg7 : memref<!tpu.dma_semaphore, #tpu.memory_space<semaphore_mem>>) src(%dma_wait3A_174 : memref<524288x64xf32, #tpu.memory_space<hbm>>) dst(%dma_wait3A_168 : memref<128x64xf32, #tpu.memory_space<vmem>>)
      %dma_wait3A_175 = arith.constant 7 : i32
      %dma_wait3A_176 = arith.constant 896 : i32
      %dma_wait3A_177 = arith.constant 0 : i32
      %dma_wait3A_178 = tpu.memref_slice %arg6[%dma_wait3A_176, %dma_wait3A_177] : memref<1024x64xf32, #tpu.memory_space<vmem>> -> memref<128x64xf32, #tpu.memory_space<vmem>>
      %dma_wait3A_179 = arith.constant 0 : i32
      %dma_wait3A_180 = tpu.memref_slice %arg5[%dma_wait3A_175, %dma_wait3A_179] : memref<8x128xi32, #tpu.memory_space<vmem>> -> memref<1x128xi32, #tpu.memory_space<vmem>>
      %dma_wait3A_181 = tpu.memref_squeeze %dma_wait3A_180 : memref<1x128xi32, #tpu.memory_space<vmem>> -> memref<128xi32, #tpu.memory_space<vmem>>
      %dma_wait3A_182 = arith.constant 0 : i32
      %dma_wait3A_183 = arith.constant 0 : i32
      %dma_wait3A_184 = tpu.memref_slice %arg2[%dma_wait3A_182, %dma_wait3A_183] : memref<524288x64xf32, #tpu.memory_space<hbm>> -> memref<524288x64xf32, #tpu.memory_space<hbm>>
      tpu.wait_indirect_dma semaphore(%arg7 : memref<!tpu.dma_semaphore, #tpu.memory_space<semaphore_mem>>) src(%dma_wait3A_184 : memref<524288x64xf32, #tpu.memory_space<hbm>>) dst(%dma_wait3A_178 : memref<128x64xf32, #tpu.memory_space<vmem>>)
      "tpu.region"() ({
        %run_scoped3A = tpu.sem_alloc : memref<!tpu.dma_semaphore, #tpu.memory_space<semaphore_mem>>
        %dma_start3A_185 = arith.constant 0 : i32
        %dma_start3A_186 = tpu.memref_slice %arg4[%add3A_10, %dma_start3A_185] : memref<524288x64xf32, #tpu.memory_space<hbm>> -> memref<1024x64xf32, #tpu.memory_space<hbm>>
        %dma_start3A_187 = arith.constant 0 : i32
        %dma_start3A_188 = tpu.memref_slice %arg4[%add3A_10, %dma_start3A_187] : memref<524288x64xf32, #tpu.memory_space<hbm>> -> memref<1024x64xf32, #tpu.memory_space<hbm>>
        tpu.enqueue_dma source(%arg6 : memref<1024x64xf32, #tpu.memory_space<vmem>>) target(%dma_start3A_188 : memref<1024x64xf32, #tpu.memory_space<hbm>>) target_semaphore(%run_scoped3A : memref<!tpu.dma_semaphore, #tpu.memory_space<semaphore_mem>>)
        %dma_wait3A_189 = arith.constant 0 : i32
        %dma_wait3A_190 = tpu.memref_slice %arg4[%add3A_10, %dma_wait3A_189] : memref<524288x64xf32, #tpu.memory_space<hbm>> -> memref<1024x64xf32, #tpu.memory_space<hbm>>
        %dma_wait3A_191 = arith.constant 0 : i32
        %dma_wait3A_192 = tpu.memref_slice %arg4[%add3A_10, %dma_wait3A_191] : memref<524288x64xf32, #tpu.memory_space<hbm>> -> memref<1024x64xf32, #tpu.memory_space<hbm>>
        tpu.wait_dma2 semaphore(%run_scoped3A : memref<!tpu.dma_semaphore, #tpu.memory_space<semaphore_mem>>) src(%arg6 : memref<1024x64xf32, #tpu.memory_space<vmem>>) dst(%dma_wait3A_192 : memref<1024x64xf32, #tpu.memory_space<hbm>>)
        tpu.yield
      }) : () -> ()
    }
    %scan3A_6 = arith.constant 16 : i32
    return
  }
}

</mosaic_0001>

<sc_bundles>
// kernel: _sc_gather.3.cloned.1.call-start
scs
__scs_entry_jumppad:
0x0: {  	(pc) =	sbr.rel $0x88, $3  }
0x1: {  	(tag) =	ssettag $0x0;
	lr =	simm.s32 $0x1  }
0x2: {  	[smem:$0x3F9F] =	sst lr;
	_ =	strace $0xD0000000  }
0x3: {  	_ = 	snop  }
0x4: {  	_ = 	snop  }
0x5: {  	_ = 	snop  }
0x6: {  	_ = 	snop  }
0x7: {  	_ = 	snop  }
__scs_overlays_trampoline_lowered:
0x8: {  	[smem:$0x3FAE] =	sst s0  }
0x9: {  	[smem:$0x3FAF] =	sst s1  }
0xa: {  	[smem:$0x3FB0] =	sst s2  }
0xb: {  	[smem:$0x3FB1] =	sst s3  }
0xc: {  	[smem:$0x3FB2] =	sst s4  }
0xd: {  	[smem:$0x3FB3] =	sst s5  }
0xe: {  	[smem:$0x3FB4] =	sst s6  }
0xf: {  	[smem:$0x3FB5] =	sst s7  }
0x10: {  	[smem:$0x3FB6] =	sst s8  }
0x11: {  	[smem:$0x3FB7] =	sst s9;
	s0 =	simm.s32 @!p0 $0x0  }
0x12: {  	s1 =	sld [smem:$0x3F9D];
	s0 =	simm.s32 @p0 $0x1  }
0x13: {  	[smem:$0x3FB8] =	sst s0;
	s0 =	simm.s32 @!p1 $0x0  }
0x14: {  	s2 =	sld [smem:$0x3F9C];
	s0 =	simm.s32 @p1 $0x1  }
0x15: {  	[smem:$0x3FB9] =	sst s0;
	s0 =	simm.s32 @!p2 $0x0  }
0x16: {  	s3 =	sld [smem:$0x3FDB];
	s0 =	simm.s32 @p2 $0x1  }
0x17: {  	s4 =	simm.s32 $0x1BF5;
	[smem:$0x3FBB] =	sst s0  }
0x18: {  	s0 =	sld [smem:$0x3F9E];
	_ =	swait.ge [sflag:s4], $0x0  }
0x19: {  	s7 =	sld [smem:$0x3F9F]  }
0x1a: {  	s8 =	sadd.s32 $0xFFFFE003, lr  }
0x1b: {  	s9 =	sadd.s32 $0xFFFFFEF7, lr;
	s5 =	simm.s32 $0xFFFFFFFF;
	p2 =	slt.u32 s8, $0xFFFFF086  }
0x1c: {  	p1 =	slt.u32 s9, $0xF7A;
	s5 =	simm.s32 @!p2 $0x0  }
0x1d: {  	s5 =	simm.s32 @p1 $0x1;
	p0 =	seq.s32 s7, s2  }
0x1e: {  	s7 =	smul.u32 @!p0 $0xF7A, s2;
	p2 =	seq.s32 @!p0 s5, $0x0  }
0x1f: {  	s9 =	smul.u32 $0xF7A, s1;
	s8 =	simm.s32 @!p0 $0x1BF5;
	p2 =	por !p2, p0  }
0x20: {  	[sflag:s8] =	ssyncset.s32 @!p0 $0xFFFFF086;
	s6 =	sadd.s32 @!p0 s3, s7;
	s7 =	simm.s32 @!p0 $0x108  }
0x21: {  	s3 =	sadd.s32 s3, s9;
	s6 =	sadd.s32 @!p0 $0x88, s6;
	s7 =	simm.s32 @p2 $0x1082  }
0x22: {  	[simem:s7], [sflag:s8] =	dma.local @!p0 [hbm:s6], $0xF7A  }
0x23: {  	s9 =	sor.u32 $0xD0000000, s2;
	s6 =	simm.s32 $0x108;
	_ =	swait.ge @!p0 [sflag:s8], $0x0  }
0x24: {  	s3 =	sadd.s32 $0x88, s3;
	s6 =	simm.s32 @!p1 $0x1082;
	[sflag:s4] =	ssyncset.s32 $0xFFFFF086  }
0x25: {  	[simem:s6], [sflag:s4] =	dma.local [hbm:s3], $0xF7A  }
0x26: {  	[smem:$0x3F9F] =	sst s1;
	(tag) =	ssettag s2;
	_ =	strace s9  }
0x27: {  	s1 =	sld [smem:$0x3FAF]  }
0x28: {  	s2 =	sld [smem:$0x3FB0]  }
0x29: {  	s4 =	sld [smem:$0x3FB2]  }
0x2a: {  	p0 =	seq.s32 s5, $0x0;
	s5 =	sld [smem:$0x3FB3]  }
0x2b: {  	s6 =	sld [smem:$0x3FB4]  }
0x2c: {  	s7 =	sld [smem:$0x3FB5]  }
0x2d: {  	s3 =	simm.s32 $0x108;
	s8 =	sld [smem:$0x3FB6]  }
0x2e: {  	s3 =	simm.s32 @!p0 $0x1082;
	s9 =	sld [smem:$0x3FB7]  }
0x2f: {  	lr =	sadd.s32 s0, s3;
	s0 =	sld [smem:$0x3FAE]  }
0x30: {  	s3 =	sld [smem:$0x3FB1]  }
0x31: {  	[smem:$0x3FBA] =	sst s10  }
0x32: {  	s10 =	sld [smem:$0x3FB8];
	_ =	sdelay $0x3  }
0x33: {  	p0 =	seq.s32 s10, $0x1;
	s10 =	sld [smem:$0x3FBA];
	_ =	sdelay $0x3  }
0x34: {  	[smem:$0x3FBA] =	sst s10  }
0x35: {  	s10 =	sld [smem:$0x3FB9];
	_ =	sdelay $0x3  }
0x36: {  	p1 =	seq.s32 s10, $0x1;
	s10 =	sld [smem:$0x3FBA];
	_ =	sdelay $0x3  }
0x37: {  	[smem:$0x3FBA] =	sst s10  }
0x38: {  	s10 =	sld [smem:$0x3FBB]  }
0x39: {  	_ = 	snop;
	(pc) =	sbr.ind lr, $3  }
0x3a: {  	_ = 	snop  }
0x3b: {  	_ = 	snop  }
0x3c: {  	p2 =	seq.s32 s10, $0x1;
	s10 =	sld [smem:$0x3FBA]  }
0x3d: {  	_ =	shalt  }
0x3e: {  	_ =	shalt  }
0x3f: {  	_ =	shalt  }
0x40: {  	_ =	shalt  }
0x41: {  	_ =	shalt  }
0x42: {  	_ =	shalt  }
0x43: {  	_ =	shalt  }
0x44: {  	_ =	shalt  }
0x45: {  	_ =	shalt  }
0x46: {  	_ =	shalt  }
0x47: {  	_ =	shalt  }
0x48: {  	_ =	shalt  }
0x49: {  	_ =	shalt  }
0x4a: {  	_ =	shalt  }
0x4b: {  	_ =	shalt  }
0x4c: {  	_ =	shalt  }
0x4d: {  	_ =	shalt  }
0x4e: {  	_ =	shalt  }
0x4f: {  	_ =	shalt  }
0x50: {  	_ =	shalt  }
0x51: {  	_ =	shalt  }
0x52: {  	_ =	shalt  }
0x53: {  	_ =	shalt  }
0x54: {  	_ =	shalt  }
0x55: {  	_ =	shalt  }
0x56: {  	_ =	shalt  }
0x57: {  	_ =	shalt  }
0x58: {  	_ =	shalt  }
0x59: {  	_ =	shalt  }
0x5a: {  	_ =	shalt  }
0x5b: {  	_ =	shalt  }
0x5c: {  	_ =	shalt  }
0x5d: {  	_ =	shalt  }
0x5e: {  	_ =	shalt  }
0x5f: {  	_ =	shalt  }
0x60: {  	_ =	shalt  }
0x61: {  	_ =	shalt  }
0x62: {  	_ =	shalt  }
0x63: {  	_ =	shalt  }
0x64: {  	_ =	shalt  }
0x65: {  	_ =	shalt  }
0x66: {  	_ =	shalt  }
0x67: {  	_ =	shalt  }
0x68: {  	_ =	shalt  }
0x69: {  	_ =	shalt  }
0x6a: {  	_ =	shalt  }
0x6b: {  	_ =	shalt  }
0x6c: {  	_ =	shalt  }
0x6d: {  	_ =	shalt  }
0x6e: {  	_ =	shalt  }
0x6f: {  	_ =	shalt  }
0x70: {  	_ =	shalt  }
0x71: {  	_ =	shalt  }
0x72: {  	_ =	shalt  }
0x73: {  	_ =	shalt  }
0x74: {  	_ =	shalt  }
0x75: {  	_ =	shalt  }
0x76: {  	_ =	shalt  }
0x77: {  	_ =	shalt  }
0x78: {  	_ =	shalt  }
0x79: {  	_ =	shalt  }
0x7a: {  	_ =	shalt  }
0x7b: {  	_ =	shalt  }
0x7c: {  	_ =	shalt  }
0x7d: {  	_ =	shalt  }
0x7e: {  	_ =	shalt  }
0x7f: {  	_ =	shalt  }
0x80: {  	_ =	shalt  }
0x81: {  	_ =	shalt  }
0x82: {  	_ =	shalt  }
0x83: {  	_ =	shalt  }
0x84: {  	_ =	shalt  }
0x85: {  	_ =	shalt  }
0x86: {  	_ =	shalt  }
0x87: {  	_ =	shalt  }
.Lfunc_end0:
.L_simem_size_0:
called_computation.1_lowered:
.L_overlay_start_0:
0x88: {  	s2 =	sld [smem:$0x3FD9]  }
0x89: {  	s3 =	sld [smem:$0x3FFE];
	_ =	sdelay $0x1  }
0x8a: {  	s1 =	srdreg.scid  }
0x8b: {  	s0 =	sand.u32 $0x1, s1  }
0x8c: {  	s17 =	sshll.u32 s0, $0xA;
	s2 =	sadd.s32 s3, s2  }
0x8d: {  	s2 =	sadd.s32 s2, s17  }
0x8e: {  	[smem:$0x3FC6] =	sst s2  }
0x8f: {  	_ = 	snop  }
0x90: {  	s2 =	sld [smem:$0x3FC8]  }
0x91: {  	s18 =	sld [smem:$0x3FD0];
	(tm) =	ssettm $0x1  }
0x92: {  	s4 =	sld [smem:$0x3FFB];
	_ =	sdelay $0x3  }
0x93: {  	_ =	strace s4  }
0x94: {  	s4 =	sld [smem:$0x3FFC];
	_ =	sdelay $0x3  }
0x95: {  	_ =	strace s4  }
0x96: {  	s4 =	sld [smem:$0x3FFD];
	_ =	sdelay $0x3  }
0x97: {  	_ =	strace s4  }
0x98: {  	_ =	strace $0x8FFFFFFF  }
0x99: {  	s19 =	sld [smem:$0x3FDB];
	_ =	sdelay $0x1  }
0x9a: {  	s5 =	simm.s32 $_scs_section_size  }
0x9b: {  	s6 =	simm.s32 $_size__tile_overlayer_lowered;
	s7 =	simm.s32 $_tile_overlayer_lowered  }
0x9c: {  	s22 =	simm.s32 $0x1BFF;
	s21 =	sshll.u32 s7, $0x1;
	s4 =	sadd.s32 s5, s19  }
0x9d: {  	s8 =	simm.s32 $0x0;
	s20 =	sshll.u32 s6, $0x1;
	s6 =	sadd.s32 s21, s4  }
0x9e: {  	[timem:s8], [sflag:s22] =	dma.local [hbm:s6], s20  }
0x9f: {  	_ =	swait.ge [sflag:s22], s20  }
0xa0: {  	s5 =	ssub.s32 $0x0, s20;
	[sflag:s22] =	ssyncset.done $0x0  }
0xa1: {  	[sflag:s22] =	ssyncadd.s32 s5;
	_ =	sdelay $0x1  }
0xa2: {  	s23 =	simm.s32 $0x1B8B  }
0xa3: {  	_ =	swait.ge [sflag:s23], $0x1  }
0xa4: {  	[sflag:s23] =	ssyncset.done $0x0  }
0xa5: {  	s25 =	simm.s32 $0x1B8E;
	s24 =	sld [smem:$0x3FFE];
	[sflag:s23] =	ssyncadd.s32 $0xFFFFFFFF  }
0xa6: {  	s26 =	simm.s32 $execute0_lowered;
	[smem:$0x3FD2] =	sst s25  }
0xa7: {  	s6 =	sshll.u32 s26, $0x1;
	_ =	strace $0x80000046;
	[dreg:$0x1] =	wrdreg $0xFFFFFFFF  }
0xa8: {  	s28 =	simm.s32 $_size_execute0_lowered;
	s4 =	sadd.s32 s4, s6;
	[dreg:$0x0] =	wrdreg $0x0  }
0xa9: {  	s6 =	sshll.u32 s28, $0x1;
	[dreg:$0x2] =	wrdreg s4  }
0xaa: {  	[dreg:$0x3] =	wrdreg s6  }
0xab: {  	[dreg:$0x4] =	wrdreg $0xC0  }
0xac: {  	_ =	task [dreg:s8], $0x5FFFF  }
0xad: {  	[dreg:$0x1] =	wrdreg $0xFFFFFFFF  }
0xae: {  	[dreg:$0x0] =	wrdreg $0x60  }
0xaf: {  	[dreg:$0x2] =	wrdreg s18  }
0xb0: {  	[dreg:$0x3] =	wrdreg s2  }
0xb1: {  	[dreg:$0x4] =	wrdreg s24  }
0xb2: {  	[dreg:$0x5] =	wrdreg $0x9  }
0xb3: {  	_ =	task.clear_ibuf [dreg:s8], $0x6FFFF;
	_ =	strace $0x90000046  }
0xb4: {  	s29 =	simm.s32 $0x9;
	_ =	strace $0x80000048  }
0xb5: {  	_ =	swait.ge [sflag:s29], $0x1  }
0xb6: {  	[sflag:s29] =	ssyncadd.s32 $0xFFFFFFFF  }
0xb7: {  	_ =	strace $0x90000048  }
0xb8: {  	_ =	sfence  }
0xb9: {  	s30 =	sld [smem:$0x0];
	_ =	sdelay $0x2  }
0xba: {  	s31 =	sshll.u32 s1, $0xD;
	s1 =	sshrl.u32 s1, $0x2  }
0xbb: {  	s3 =	sand.u32 $0x4000, s31;
	s1 =	sadd.s32 s1, s30  }
0xbc: {  	s0 =	sor.u32 s3, s0;
	s1 =	sshll.u32 s1, $0x11  }
0xbd: {  	s0 =	sor.u32 s1, s0  }
0xbe: {  	s0 =	sadd.s32 $0x8F2B, s0  }
0xbf: {  	[sflag:s0] =	ssyncadd.remote.s32 $0x1  }
0xc0: {  	_ =	sfence.sel $0xFFFF  }
0xc1: {  	[dreg:$0x0] =	wrdreg $0xFFFFFFFF;
	(pc) =	sbr.abs _section_cstart, $3  }
0xc2: {  	[dreg:$0x1] =	wrdreg $0xFFFFFFFF  }
0xc3: {  	_ =	task.clear_ibuf [dreg:s8], $0x2FFFF;
	_ =	strace $0x9FFFFFFF  }
0xc4: {  	(tm) =	ssettm $0x7FFFFFFF  }
0xc5: {  	_ =	shalt  }
tec
execute0_lowered:
.L_overlay_start_1:
0x0: {  	(tag) =	ssettag $0x1  }
0x1: {  	s1 =	rddreg [dreg:$0x0]  }
0x2: {  	s6 =	rddreg [dreg:$0x1]  }
0x3: {  	s4 =	rddreg [dreg:$0x2]  }
0x4: {  	s0 =	rddreg [dreg:$0x3];
	s3 =	simm.s32 $0x0;
	s2 =	stileid.u32  }
0x5: {  	s7 =	srdreg.scid;
	s11 =	simm.s32 $0x100;
	s12 =	simm.s32 $0x4400  }
0x6: {  	s13 =	simm.s32 $0x180;
	s14 =	simm.s32 $0x6400;
	s15 =	simm.s32 $0x200  }
0x7: {  	s16 =	simm.s32 $0x8400;
	s17 =	simm.s32 $0x280;
	s18 =	simm.s32 $0xA400  }
0x8: {  	s19 =	simm.s32 $0x300;
	s20 =	simm.s32 $0xC400;
	s21 =	simm.s32 $0x380  }
0x9: {  	s22 =	simm.s32 $0xE400;
	s23 =	simm.s32 $0x1;
	s24 =	simm.s32 $0x0  }
0xa: {  	[smem:$0x7FF] =	sst s3;
	s5 =	sshll.u32 s2, $0x12;
	s31 =	sand.u32 $0x1, s7  }
0xb: {  	s8 =	sshll.u32 s2, $0xF;
	_ =	strace $0x80000047;
	s4 =	sadd.s32 s5, s4  }
0xc: {  	s7 =	ssub.s32 $0x2, s31;
	s9 =	sshll.u32 s31, $0xE;
	s5 =	sshll.u32 s31, $0x11  }
0xd: {  	s10 =	sshrl.u32 s7, $0x1;
	s8 =	sor.u32 s9, s8;
	s5 =	sadd.s32 s5, s4  }
0xe: {  	s9 =	simm.s32 $0x400;
	s7 =	ssub.s32 s7, s10;
	s8 =	sshrl.u32 s8, $0x3  }
0xf: {  	s5 =	sadd.s32 $0x800, s5;
	s10 =	simm.s32 $0x2400;
	s4 =	smax.u32 s7, $0x1  }
0x10: {  	s6 =	sadd.s32 s8, s6;
	s7 =	simm.s32 $0x2;
	s8 =	simm.s32 $0x80  }
.LBB2_1:
0x11: {  	s25 =	sadd.s32 $0x0, s6  }
0x12: {  	[tilespmem:s3], [sflag:$0x2] =	stream.linear.gather [hbm4b:s25+s3], $0x400, $0x38;
	[tilespmem:$0x10400] =	vst v63  }
0x13: {  	_ =	swait.ge [sflag:s7], $0x400  }
0x14: {  	[sflag:s7] =	ssyncset.done $0x0  }
0x15: {  	[sflag:s7] =	ssyncadd.s32 $0xFFFFFC00  }
0x16: {  	[tilespmem:s9], [sflag:$0x1] =	stream.indirect.gather [hbm4b:s1+s8], $0x40, s3, s8, $0xb8;
	[tilespmem:$0x10400] =	vst v63  }
0x17: {  	_ = 	snop  }
0x18: {  	[tilespmem:s10], [sflag:$0x1] =	stream.indirect.gather [hbm4b:s1+s8], $0x40, s8, s8, $0xb8;
	[tilespmem:$0x10400] =	vst v63  }
0x19: {  	_ = 	snop  }
0x1a: {  	[tilespmem:s12], [sflag:$0x1] =	stream.indirect.gather [hbm4b:s1+s8], $0x40, s11, s8, $0xb8;
	[tilespmem:$0x10400] =	vst v63  }
0x1b: {  	_ = 	snop  }
0x1c: {  	[tilespmem:s14], [sflag:$0x1] =	stream.indirect.gather [hbm4b:s1+s8], $0x40, s13, s8, $0xb8;
	[tilespmem:$0x10400] =	vst v63  }
0x1d: {  	_ = 	snop  }
0x1e: {  	[tilespmem:s16], [sflag:$0x1] =	stream.indirect.gather [hbm4b:s1+s8], $0x40, s15, s8, $0xb8;
	[tilespmem:$0x10400] =	vst v63  }
0x1f: {  	_ = 	snop  }
0x20: {  	[tilespmem:s18], [sflag:$0x1] =	stream.indirect.gather [hbm4b:s1+s8], $0x40, s17, s8, $0xb8;
	[tilespmem:$0x10400] =	vst v63  }
0x21: {  	_ = 	snop  }
0x22: {  	[tilespmem:s20], [sflag:$0x1] =	stream.indirect.gather [hbm4b:s1+s8], $0x40, s19, s8, $0xb8;
	[tilespmem:$0x10400] =	vst v63  }
0x23: {  	_ = 	snop  }
0x24: {  	[tilespmem:s22], [sflag:$0x1] =	stream.indirect.gather [hbm4b:s1+s8], $0x40, s21, s8, $0xb8;
	[tilespmem:$0x10400] =	vst v63  }
0x25: {  	_ =	swait.ge [sflag:s23], $0x2000  }
0x26: {  	[sflag:s23] =	ssyncset.done $0x0  }
0x27: {  	[sflag:s23] =	ssyncadd.s32 $0xFFFFE000  }
0x28: {  	_ =	swait.ge [sflag:s23], $0x2000  }
0x29: {  	[sflag:s23] =	ssyncset.done $0x0  }
0x2a: {  	[sflag:s23] =	ssyncadd.s32 $0xFFFFE000  }
0x2b: {  	_ =	swait.ge [sflag:s23], $0x2000  }
0x2c: {  	[sflag:s23] =	ssyncset.done $0x0  }
0x2d: {  	[sflag:s23] =	ssyncadd.s32 $0xFFFFE000  }
0x2e: {  	_ =	swait.ge [sflag:s23], $0x2000  }
0x2f: {  	[sflag:s23] =	ssyncset.done $0x0  }
0x30: {  	[sflag:s23] =	ssyncadd.s32 $0xFFFFE000  }
0x31: {  	_ =	swait.ge [sflag:s23], $0x2000  }
0x32: {  	[sflag:s23] =	ssyncset.done $0x0  }
0x33: {  	[sflag:s23] =	ssyncadd.s32 $0xFFFFE000  }
0x34: {  	_ =	swait.ge [sflag:s23], $0x2000  }
0x35: {  	[sflag:s23] =	ssyncset.done $0x0  }
0x36: {  	[sflag:s23] =	ssyncadd.s32 $0xFFFFE000  }
0x37: {  	_ =	swait.ge [sflag:s23], $0x2000  }
0x38: {  	[sflag:s23] =	ssyncset.done $0x0  }
0x39: {  	[sflag:s23] =	ssyncadd.s32 $0xFFFFE000  }
0x3a: {  	_ =	swait.ge [sflag:s23], $0x2000  }
0x3b: {  	[sflag:s23] =	ssyncset.done $0x0  }
0x3c: {  	[sflag:s23] =	ssyncadd.s32 $0xFFFFE000  }
0x3d: {  	[hbm4b:s5+s3] =	stream.linear.scatter [tilespmem:s9], [sflag:$0x2], $0x10000, $0x38;
	[tilespmem:$0x10400] =	vst v63  }
0x3e: {  	s26 =	simm.s32 $0x80;
	_ =	swait.ge [sflag:s7], $0x10000  }
0x3f: {  	s29 =	simm.s32 $0x100;
	s25 =	sadd.s32 $0x2000, s5;
	[sflag:s7] =	ssyncset.done $0x0  }
.LBB2_2:
0x40: {  	s30 =	sadd.s32 s26, s6  }
0x41: {  	[sflag:s7] =	ssyncadd.s32 $0xFFFF0000;
	s26 =	smov.u32 s29;
	s28 =	sadd.s32 $0x80, s29  }
0x42: {  	[tilespmem:s3], [sflag:$0x2] =	stream.linear.gather [hbm4b:s30+s3], $0x400, $0x38;
	[tilespmem:$0x10400] =	vst v63  }
0x43: {  	p0 =	sne.s32 s29, $0x780;
	_ =	swait.ge [sflag:s7], $0x400  }
0x44: {  	[sflag:s7] =	ssyncset.done $0x0  }
0x45: {  	[sflag:s7] =	ssyncadd.s32 $0xFFFFFC00  }
0x46: {  	[tilespmem:s9], [sflag:$0x1] =	stream.indirect.gather [hbm4b:s1+s8], $0x40, s3, s8, $0xb8;
	[tilespmem:$0x10400] =	vst v63  }
0x47: {  	_ = 	snop  }
0x48: {  	[tilespmem:s10], [sflag:$0x1] =	stream.indirect.gather [hbm4b:s1+s8], $0x40, s8, s8, $0xb8;
	[tilespmem:$0x10400] =	vst v63  }
0x49: {  	_ = 	snop  }
0x4a: {  	[tilespmem:s12], [sflag:$0x1] =	stream.indirect.gather [hbm4b:s1+s8], $0x40, s11, s8, $0xb8;
	[tilespmem:$0x10400] =	vst v63  }
0x4b: {  	_ = 	snop  }
0x4c: {  	[tilespmem:s14], [sflag:$0x1] =	stream.indirect.gather [hbm4b:s1+s8], $0x40, s13, s8, $0xb8;
	[tilespmem:$0x10400] =	vst v63  }
0x4d: {  	_ = 	snop  }
0x4e: {  	[tilespmem:s16], [sflag:$0x1] =	stream.indirect.gather [hbm4b:s1+s8], $0x40, s15, s8, $0xb8;
	[tilespmem:$0x10400] =	vst v63  }
0x4f: {  	_ = 	snop  }
0x50: {  	[tilespmem:s18], [sflag:$0x1] =	stream.indirect.gather [hbm4b:s1+s8], $0x40, s17, s8, $0xb8;
	[tilespmem:$0x10400] =	vst v63  }
0x51: {  	_ = 	snop  }
0x52: {  	[tilespmem:s20], [sflag:$0x1] =	stream.indirect.gather [hbm4b:s1+s8], $0x40, s19, s8, $0xb8;
	[tilespmem:$0x10400] =	vst v63  }
0x53: {  	_ = 	snop  }
0x54: {  	[tilespmem:s22], [sflag:$0x1] =	stream.indirect.gather [hbm4b:s1+s8], $0x40, s21, s8, $0xb8;
	[tilespmem:$0x10400] =	vst v63  }
0x55: {  	_ =	swait.ge [sflag:s23], $0x2000  }
0x56: {  	[sflag:s23] =	ssyncset.done $0x0  }
0x57: {  	[sflag:s23] =	ssyncadd.s32 $0xFFFFE000  }
0x58: {  	_ =	swait.ge [sflag:s23], $0x2000  }
0x59: {  	[sflag:s23] =	ssyncset.done $0x0  }
0x5a: {  	[sflag:s23] =	ssyncadd.s32 $0xFFFFE000  }
0x5b: {  	_ =	swait.ge [sflag:s23], $0x2000  }
0x5c: {  	[sflag:s23] =	ssyncset.done $0x0  }
0x5d: {  	[sflag:s23] =	ssyncadd.s32 $0xFFFFE000  }
0x5e: {  	_ =	swait.ge [sflag:s23], $0x2000  }
0x5f: {  	[sflag:s23] =	ssyncset.done $0x0  }
0x60: {  	[sflag:s23] =	ssyncadd.s32 $0xFFFFE000  }
0x61: {  	_ =	swait.ge [sflag:s23], $0x2000  }
0x62: {  	[sflag:s23] =	ssyncset.done $0x0  }
0x63: {  	[sflag:s23] =	ssyncadd.s32 $0xFFFFE000  }
0x64: {  	_ =	swait.ge [sflag:s23], $0x2000  }
0x65: {  	[sflag:s23] =	ssyncset.done $0x0  }
0x66: {  	[sflag:s23] =	ssyncadd.s32 $0xFFFFE000  }
0x67: {  	_ =	swait.ge [sflag:s23], $0x2000  }
0x68: {  	[sflag:s23] =	ssyncset.done $0x0  }
0x69: {  	[sflag:s23] =	ssyncadd.s32 $0xFFFFE000  }
0x6a: {  	_ =	swait.ge [sflag:s23], $0x2000  }
.Ltmp0:
0x6b: {  	[sflag:s23] =	ssyncset.done $0x0;
	(pc) =	sbr.rel @p0 .LBB2_2-.Ltmp0, $4  }
0x6c: {  	[sflag:s23] =	ssyncadd.s32 $0xFFFFE000  }
0x6d: {  	[hbm4b:s25+s3] =	stream.linear.scatter [tilespmem:s9], [sflag:$0x2], $0x10000, $0x38;
	[tilespmem:$0x10400] =	vst v63  }
0x6e: {  	_ =	swait.ge [sflag:s7], $0x10000  }
0x6f: {  	s29 =	smov.u32 s28;
	s25 =	sadd.s32 $0x2000, s25;
	[sflag:s7] =	ssyncset.done $0x0  }
0x70: {  	s26 =	sadd.s32 s26, s6;
	[sflag:s7] =	ssyncadd.s32 $0xFFFF0000  }
0x71: {  	[tilespmem:s3], [sflag:$0x2] =	stream.linear.gather [hbm4b:s26+s3], $0x400, $0x38;
	[tilespmem:$0x10400] =	vst v63  }
0x72: {  	_ =	swait.ge [sflag:s7], $0x400  }
0x73: {  	[sflag:s7] =	ssyncset.done $0x0  }
0x74: {  	[sflag:s7] =	ssyncadd.s32 $0xFFFFFC00  }
0x75: {  	[tilespmem:s9], [sflag:$0x1] =	stream.indirect.gather [hbm4b:s1+s8], $0x40, s3, s8, $0xb8;
	[tilespmem:$0x10400] =	vst v63  }
0x76: {  	_ = 	snop  }
0x77: {  	[tilespmem:s10], [sflag:$0x1] =	stream.indirect.gather [hbm4b:s1+s8], $0x40, s8, s8, $0xb8;
	[tilespmem:$0x10400] =	vst v63  }
0x78: {  	_ = 	snop  }
0x79: {  	[tilespmem:s12], [sflag:$0x1] =	stream.indirect.gather [hbm4b:s1+s8], $0x40, s11, s8, $0xb8;
	[tilespmem:$0x10400] =	vst v63  }
0x7a: {  	_ = 	snop  }
0x7b: {  	[tilespmem:s14], [sflag:$0x1] =	stream.indirect.gather [hbm4b:s1+s8], $0x40, s13, s8, $0xb8;
	[tilespmem:$0x10400] =	vst v63  }
0x7c: {  	_ = 	snop  }
0x7d: {  	[tilespmem:s16], [sflag:$0x1] =	stream.indirect.gather [hbm4b:s1+s8], $0x40, s15, s8, $0xb8;
	[tilespmem:$0x10400] =	vst v63  }
0x7e: {  	_ = 	snop  }
0x7f: {  	[tilespmem:s18], [sflag:$0x1] =	stream.indirect.gather [hbm4b:s1+s8], $0x40, s17, s8, $0xb8;
	[tilespmem:$0x10400] =	vst v63  }
0x80: {  	_ = 	snop  }
0x81: {  	[tilespmem:s20], [sflag:$0x1] =	stream.indirect.gather [hbm4b:s1+s8], $0x40, s19, s8, $0xb8;
	[tilespmem:$0x10400] =	vst v63  }
0x82: {  	_ = 	snop  }
0x83: {  	[tilespmem:s22], [sflag:$0x1] =	stream.indirect.gather [hbm4b:s1+s8], $0x40, s21, s8, $0xb8;
	[tilespmem:$0x10400] =	vst v63  }
0x84: {  	_ =	swait.ge [sflag:s23], $0x2000  }
0x85: {  	[sflag:s23] =	ssyncset.done $0x0  }
0x86: {  	[sflag:s23] =	ssyncadd.s32 $0xFFFFE000  }
0x87: {  	_ =	swait.ge [sflag:s23], $0x2000  }
0x88: {  	[sflag:s23] =	ssyncset.done $0x0  }
0x89: {  	[sflag:s23] =	ssyncadd.s32 $0xFFFFE000  }
0x8a: {  	_ =	swait.ge [sflag:s23], $0x2000  }
0x8b: {  	[sflag:s23] =	ssyncset.done $0x0  }
0x8c: {  	[sflag:s23] =	ssyncadd.s32 $0xFFFFE000  }
0x8d: {  	_ =	swait.ge [sflag:s23], $0x2000  }
0x8e: {  	[sflag:s23] =	ssyncset.done $0x0  }
0x8f: {  	[sflag:s23] =	ssyncadd.s32 $0xFFFFE000  }
0x90: {  	_ =	swait.ge [sflag:s23], $0x2000  }
0x91: {  	[sflag:s23] =	ssyncset.done $0x0  }
0x92: {  	[sflag:s23] =	ssyncadd.s32 $0xFFFFE000  }
0x93: {  	_ =	swait.ge [sflag:s23], $0x2000  }
0x94: {  	[sflag:s23] =	ssyncset.done $0x0  }
0x95: {  	[sflag:s23] =	ssyncadd.s32 $0xFFFFE000  }
0x96: {  	_ =	swait.ge [sflag:s23], $0x2000  }
0x97: {  	[sflag:s23] =	ssyncset.done $0x0  }
0x98: {  	[sflag:s23] =	ssyncadd.s32 $0xFFFFE000  }
0x99: {  	s24 =	sadd.s32 $0x1, s24;
	_ =	swait.ge [sflag:s23], $0x2000  }
0x9a: {  	p0 =	sne.s32 s24, s4;
	[sflag:s23] =	ssyncset.done $0x0  }
.Ltmp1:
0x9b: {  	[sflag:s23] =	ssyncadd.s32 $0xFFFFE000;
	(pc) =	sbr.rel @p0 .LBB2_1-.Ltmp1, $4  }
0x9c: {  	[hbm4b:s25+s3] =	stream.linear.scatter [tilespmem:s9], [sflag:$0x2], $0x10000, $0x38;
	[tilespmem:$0x10400] =	vst v63  }
0x9d: {  	_ =	swait.ge [sflag:s7], $0x10000  }
0x9e: {  	[sflag:s7] =	ssyncset.done $0x0  }
0x9f: {  	[sflag:s7] =	ssyncadd.s32 $0xFFFF0000  }
0xa0: {  	_ =	sfence.sel $0x180000  }
0xa1: {  	[bflag:$0x0] =	sbarrier.arrive $0xFFFF  }
0xa2: {  	p0 =	sne.s32 s2, $0x0;
	_ =	strace $0x90000047  }
0xa3: {  	s0 =	sadd.s32 @!p0 $0x100000, s0;
	[bflag:$0x2] =	sbarrier.arrive $0xFFFF  }
0xa4: {  	[sflag:s0] =	ssyncadd.tile.s32 @!p0 $0x1;
	_ =	shalt  }
.Lfunc_end2:
_tile_overlayer_lowered:
.L_overlay_start_2:
0xa5: {  	(tag) =	ssettag $0x2  }
0xa6: {  	s0 =	rddreg [dreg:$0x0];
	s2 =	stileid.u32  }
0xa7: {  	s1 =	rddreg [dreg:$0x1];
	p0 =	sne.s32 s2, $0x0  }
0xa8: {  	s3 =	rddreg [dreg:$0x2];
	[bflag:$0x3] =	sbarrier.arrive $0xFFFF;
	s2 =	simm.s32 @!p0 $0x1C02  }
0xa9: {  	[timem:s3], [sflag:s2] =	dma.local @!p0 [hbm:s0], s1  }
0xaa: {  	s0 =	simm.s32 @!p0 $0x2  }
0xab: {  	_ =	swait.ge @!p0 [sflag:s0], s1  }
0xac: {  	s1 =	ssub.s32 @!p0 $0x0, s1;
	[sflag:s0] =	ssyncset.done @!p0 $0x0  }
0xad: {  	[sflag:s0] =	ssyncadd.s32 @!p0 s1  }
0xae: {  	[bflag:$0x3] =	sbarrier.arrive $0xFFFF  }
0xaf: {  	_ =	shalt  }

// kernel: sparse-core-data-format-call.cloned.1.call-start
scs
called_computation_lowered:
.L_overlay_start_0:
0x0: {  	s2 =	sld [smem:$0x3FD9]  }
0x1: {  	s3 =	sld [smem:$0x3FFE];
	_ =	sdelay $0x1  }
0x2: {  	s1 =	srdreg.scid  }
0x3: {  	s0 =	sand.u32 $0x1, s1  }
0x4: {  	s18 =	sshll.u32 s0, $0xA;
	s2 =	sadd.s32 s3, s2  }
0x5: {  	s2 =	sadd.s32 s2, s18  }
0x6: {  	[smem:$0x3FC6] =	sst s2  }
0x7: {  	_ = 	snop  }
0x8: {  	s2 =	sld [smem:$0x3FD0];
	(tm) =	ssettm $0x1  }
0x9: {  	s19 =	sld [smem:$0x3FFB];
	_ =	sdelay $0x3  }
0xa: {  	_ =	strace s19  }
0xb: {  	s3 =	sld [smem:$0x3FFC];
	_ =	sdelay $0x3  }
0xc: {  	_ =	strace s3  }
0xd: {  	s3 =	sld [smem:$0x3FFD];
	_ =	sdelay $0x3  }
0xe: {  	_ =	strace s3  }
0xf: {  	_ =	strace $0x8FFFFFFF  }
0x10: {  	s20 =	sld [smem:$0x3FDB];
	_ =	sdelay $0x1  }
0x11: {  	s4 =	simm.s32 $_scs_section_size  }
0x12: {  	s5 =	simm.s32 $_size__tile_overlayer_lowered;
	s6 =	simm.s32 $_tile_overlayer_lowered  }
0x13: {  	s23 =	simm.s32 $0x1BFF;
	s22 =	sshll.u32 s6, $0x1;
	s3 =	sadd.s32 s4, s20  }
0x14: {  	s7 =	simm.s32 $0x0;
	s21 =	sshll.u32 s5, $0x1;
	s5 =	sadd.s32 s22, s3  }
0x15: {  	[timem:s7], [sflag:s23] =	dma.local [hbm:s5], s21  }
0x16: {  	_ =	swait.ge [sflag:s23], s21  }
0x17: {  	s4 =	ssub.s32 $0x0, s21;
	[sflag:s23] =	ssyncset.done $0x0  }
0x18: {  	[sflag:s23] =	ssyncadd.s32 s4;
	_ =	sdelay $0x1  }
0x19: {  	s24 =	simm.s32 $0x1B8B  }
0x1a: {  	_ =	swait.ge [sflag:s24], $0x1  }
0x1b: {  	[sflag:s24] =	ssyncset.done $0x0  }
0x1c: {  	s26 =	simm.s32 $0x1B8E;
	s25 =	sld [smem:$0x3FFE];
	[sflag:s24] =	ssyncadd.s32 $0xFFFFFFFF  }
0x1d: {  	s27 =	simm.s32 $execute0_lowered;
	[smem:$0x3FD2] =	sst s26  }
0x1e: {  	s5 =	sshll.u32 s27, $0x1;
	_ =	strace $0x80000049;
	[dreg:$0x1] =	wrdreg $0xFFFFFFFF  }
0x1f: {  	s28 =	simm.s32 $_size_execute0_lowered;
	s3 =	sadd.s32 s3, s5;
	[dreg:$0x0] =	wrdreg $0x0  }
0x20: {  	s5 =	sshll.u32 s28, $0x1;
	[dreg:$0x2] =	wrdreg s3  }
0x21: {  	[dreg:$0x3] =	wrdreg s5  }
0x22: {  	[dreg:$0x4] =	wrdreg $0xC0  }
0x23: {  	_ =	task [dreg:s7], $0x5FFFF  }
0x24: {  	[dreg:$0x1] =	wrdreg $0xFFFFFFFF  }
0x25: {  	[dreg:$0x0] =	wrdreg $0x60  }
0x26: {  	[dreg:$0x2] =	wrdreg s25  }
0x27: {  	[dreg:$0x3] =	wrdreg s2  }
0x28: {  	[dreg:$0x4] =	wrdreg $0x9  }
0x29: {  	_ =	task.clear_ibuf [dreg:s7], $0x5FFFF;
	_ =	strace $0x90000049  }
0x2a: {  	s29 =	simm.s32 $0x9;
	_ =	strace $0x8000004B  }
0x2b: {  	_ =	swait.ge [sflag:s29], $0x1  }
0x2c: {  	[sflag:s29] =	ssyncadd.s32 $0xFFFFFFFF  }
0x2d: {  	_ =	strace $0x9000004B  }
0x2e: {  	_ =	sfence  }
0x2f: {  	s30 =	sld [smem:$0x0];
	_ =	sdelay $0x2  }
0x30: {  	s31 =	sshll.u32 s1, $0xD;
	s1 =	sshrl.u32 s1, $0x2  }
0x31: {  	s3 =	sand.u32 $0x4000, s31;
	s1 =	sadd.s32 s1, s30  }
0x32: {  	s0 =	sor.u32 s3, s0;
	s1 =	sshll.u32 s1, $0x11  }
0x33: {  	s0 =	sor.u32 s1, s0  }
0x34: {  	s0 =	sadd.s32 $0x8F2B, s0  }
0x35: {  	[sflag:s0] =	ssyncadd.remote.s32 $0x1  }
0x36: {  	_ =	sfence.sel $0xFFFF  }
0x37: {  	[dreg:$0x0] =	wrdreg $0xFFFFFFFF;
	(pc) =	sbr.abs _section_cstart, $3  }
0x38: {  	[dreg:$0x1] =	wrdreg $0xFFFFFFFF  }
0x39: {  	_ =	task.clear_ibuf [dreg:s7], $0x2FFFF;
	_ =	strace $0x9FFFFFFF  }
0x3a: {  	(tm) =	ssettm $0x7FFFFFFF  }
0x3b: {  	_ =	shalt  }
tec
execute0_lowered:
.L_overlay_start_1:
0x0: {  	(tag) =	ssettag $0x1  }
0x1: {  	s0 =	srdreg.scid  }
0x2: {  	s1 =	sshll.u32 s0, $0x4  }
0x3: {  	s4 =	rddreg [dreg:$0x0];
	s0 =	stileid.u32;
	s1 =	sand.u32 $0x10, s1  }
0x4: {  	s2 =	rddreg [dreg:$0x1];
	s7 =	simm.s32 $0x1;
	s1 =	sor.u32 s0, s1  }
0x5: {  	s8 =	simm.s32 $0x2;
	s11 =	simm.s32 $0x0;
	s3 =	sshll.u32 s1, $0x7  }
0x6: {  	s10 =	simm.s32 $0x0;
	s4 =	sadd.s32 $0x400800, s4;
	s6 =	ssub.s32 $0x80000, s3  }
.Ltmp0:
0x7: {  	s1 =	rddreg [dreg:$0x2];
	s5 =	sand.u32 $0xF80, s6;
	(pc) =	sbr.rel .LBB1_1-.Ltmp0, $4  }
0x8: {  	_ =	strace $0x8000004A;
	s9 =	smov.u32 s3;
	p0 =	sne.s32 s5, $0x0  }
0x9: {  	s6 =	sshrl.u32 s6, $0xC;
	s5 =	simm.s32 $0x1;
	s7 =	simm.s32 @!p0 $0x0  }
0xa: {  	[sflag:s5] =	ssyncpa.u1 $0x0;
	p0 =	por $0x0, $0x0;
	s6 =	sadd.s32 s7, s6  }
0xb: {  	[sflag:s8] =	ssyncpa.u1 $0x0;
	s8 =	simm.s32 $0x400000;
	s7 =	sadd.s32 $0x1, s6  }
.LBB1_4:
0xc: {  	s14 =	sshll.u32 s11, $0x3  }
0xd: {  	s15 =	sand.u32 $0x78, s11;
	s14 =	sand.u32 $0x7FC00, s14  }
0xe: {  	[tilespmem:s13+$0x810 ss:$0x81] =	vst.msk $0xffff, v2;
	s29 =	sand.u32 $0x3F0000, s11;
	s30 =	sand.u32 $0x7, s11;
	s14 =	sor.u32 s15, s14  }
0xf: {  	[tilespmem:s13+$0x1020 ss:$0x81] =	vst.msk $0xffff, v0;
	s11 =	sshll.u32 s30, $0x12;
	s15 =	sadd.s32 s2, s29;
	s14 =	sshrl.u32 s14, $0x3  }
0x10: {  	[tilespmem:s13+$0x0 ss:$0x81] =	vst.msk $0xffff, v1;
	s11 =	sor.u32 $0x400, s11;
	s31 =	sadd.s32 s14, s15  }
0x11: {  	[hbm4b:s31+s11] =	stream.strided.scatter [tilespmem:s12], [sflag:$0x2], $0x2000, s8, s11, $0x20;
	[tilespmem:$0x8080] =	vst v63  }
.LBB1_5:
0x12: {  	s13 =	sadd.s32 $0x1000, s9  }
0x13: {  	p2 =	sgt.s32 s13, $0x7FFFF  }
0x14: {  	s13 =	smov.u32 @p2 s3;
	p2 =	sne.s32 s10, s7  }
.Ltmp1:
0x15: {  	p1 =	slt.u32 s10, $0x2;
	(pc) =	sbr.rel @!p2 .LBB1_6-.Ltmp1, $4  }
0x16: {  	s12 =	simm.s32 @!p1 $0x2  }
0x17: {  	s14 =	sadd.s32 $0x1, s10;
	_ =	swait.ge @!p1 [sflag:s12], $0x2000  }
0x18: {  	s11 =	smov.u32 s9;
	p0 =	por !p0, !p0;
	[sflag:s12] =	ssyncset.done @!p1 $0x0  }
0x19: {  	s10 =	smov.u32 s14;
	s9 =	smov.u32 s13;
	[sflag:s12] =	ssyncadd.s32 @!p1 $0xFFFFE000  }
.LBB1_1:
0x1a: {  	p1 =	sge.u32 s10, s6  }
0x1b: {  	s31 =	sadd.s32 $0xFFFFFFFF, s10;
	s12 =	sxor.u32 @!p1 $0xFFFFFFFF, s10;
	s13 =	sshll.u32 @!p1 s9, $0x4  }
0x1c: {  	s14 =	simm.s32 @!p1 $0x40;
	s12 =	sshll.u32 @!p1 s12, $0xD;
	s13 =	sand.u32 @!p1 $0x7FFFF0, s13  }
0x1d: {  	s15 =	simm.s32 @!p1 $0x80;
	s12 =	sand.u32 @!p1 $0x2000, s12;
	s13 =	sadd.s32 @!p1 s4, s13  }
0x1e: {  	[tilespmem:s12], [sflag:$0x1] =	stream.strided.gather @!p1 [hbm4b:s13+s14], $0x2000, s15, s14, $0x38;
	[tilespmem:$0x8080] =	vst v63  }
0x1f: {  	p1 =	sge.u32 s31, s6  }
.Ltmp2:
0x20: {  	_ = 	snop;
	(pc) =	sbr.rel @p1 .LBB1_5-.Ltmp2, $1  }
0x21: {  	_ =	sdelay $0x3  }
0x22: {  	s12 =	simm.s32 $0x1  }
0x23: {  	_ =	swait.ge [sflag:s5], $0x2000;
	s12 =	simm.s32 @!p0 $0x0  }
0x24: {  	[sflag:s5] =	ssyncset.done $0x0;
	s13 =	sshll.u32 s12, $0xD  }
0x25: {  	[sflag:s5] =	ssyncadd.s32 $0xFFFFE000;
	s16 =	sor.u32 $0x20, s13  }
0x26: {  	s12 =	smul.u32 $0x8100, s12;
	v3 =	vld [tilespmem:s16+$0x10]  }
0x27: {  	s30 =	sand.u32 $0x1, s10;
	v2 =	vld [tilespmem:s16+$0xFFFFFFF0]  }
0x28: {  	s13 =	smul.u32 $0x8100, s30;
	s12 =	sshrl.u32 s12, $0x2;
	v0 =	vld [tilespmem:s16+$0x0]  }
0x29: {  	v1 =	vld [tilespmem:s16+$0xFFFFFFE0];
	s14 =	sor.u32 $0x4000, s12  }
0x2a: {  	s31 =	sshrl.u32 s13, $0x2;
	s13 =	sadd.s32 $0x0, s14  }
0x2b: {  	s15 =	simm.s32 $0x4;
	s16 =	sadd.s32 $0x40, s16;
	s12 =	sor.u32 $0x4000, s31;
	[tilespmem:s13+$0x1830 ss:$0x81] =	vst.msk $0xffff, v3  }
.LBB1_3:
0x2c: {  	v3 =	vld [tilespmem:s16+$0x10];
	p1 =	sne.s32 s15, $0x1FC;
	[tilespmem:s13+$0x810 ss:$0x81] =	vst.msk $0xffff, v2;
	s17 =	smov.u32 s15;
	s15 =	sadd.s32 $0x4, s15  }
.Ltmp3:
0x2d: {  	v2 =	vld [tilespmem:s16+$0xFFFFFFF0];
	[tilespmem:s13+$0x1020 ss:$0x81] =	vst.msk $0xffff, v0;
	(pc) =	sbr.rel @p1 .LBB1_3-.Ltmp3, $4  }
0x2e: {  	v0 =	vld [tilespmem:s16+$0x0];
	[tilespmem:s13+$0x0 ss:$0x81] =	vst.msk $0xffff, v1  }
0x2f: {  	s13 =	sshra.s32 s17, $0x2;
	v1 =	vld [tilespmem:s16+$0xFFFFFFE0]  }
0x30: {  	s13 =	sadd.s32 s13, s14  }
0x31: {  	s16 =	sadd.s32 $0x40, s16;
	[tilespmem:s13+$0x1830 ss:$0x81] =	vst.msk $0xffff, v3  }
.Ltmp4:
0x32: {  	_ = 	snop;
	(pc) =	sbr.rel .LBB1_4-.Ltmp4, $1  }
0x33: {  	_ =	sdelay $0x3  }
.LBB1_6:
0x34: {  	_ =	sfence.sel $0x180000  }
0x35: {  	s2 =	simm.s32 $0x1;
	[bflag:$0x0] =	sbarrier.arrive $0xFFFF  }
0x36: {  	s31 =	simm.s32 $0x2;
	[sflag:s2] =	ssyncpa.u1 $0x1  }
0x37: {  	[sflag:s31] =	ssyncpa.u1 $0x1  }
0x38: {  	p0 =	sne.s32 s0, $0x0;
	_ =	strace $0x9000004A  }
0x39: {  	s0 =	sadd.s32 @!p0 $0x100000, s1;
	[bflag:$0x2] =	sbarrier.arrive $0xFFFF  }
0x3a: {  	[sflag:s0] =	ssyncadd.tile.s32 @!p0 $0x1;
	_ =	shalt  }
.Lfunc_end1:
_tile_overlayer_lowered:
.L_overlay_start_2:
0x3b: {  	(tag) =	ssettag $0x2  }
0x3c: {  	s0 =	rddreg [dreg:$0x0];
	s2 =	stileid.u32  }
0x3d: {  	s1 =	rddreg [dreg:$0x1];
	p0 =	sne.s32 s2, $0x0  }
0x3e: {  	s3 =	rddreg [dreg:$0x2];
	[bflag:$0x3] =	sbarrier.arrive $0xFFFF;
	s2 =	simm.s32 @!p0 $0x1C01  }
0x3f: {  	[timem:s3], [sflag:s2] =	dma.local @!p0 [hbm:s0], s1  }
0x40: {  	s0 =	simm.s32 @!p0 $0x1  }
0x41: {  	_ =	swait.ge @!p0 [sflag:s0], s1  }
0x42: {  	s1 =	ssub.s32 @!p0 $0x0, s1;
	[sflag:s0] =	ssyncset.done @!p0 $0x0  }
0x43: {  	[sflag:s0] =	ssyncadd.s32 @!p0 s1  }
0x44: {  	[bflag:$0x3] =	sbarrier.arrive $0xFFFF  }
0x45: {  	_ =	shalt  }

</sc_bundles>
